<compile_context>
chip_gen: v7x
topology: tpu7x:2x2x1
jax: 0.10.2.dev20260603
libtpu: 0.0.44.dev20260713+nightly
codegen_flags: <defaults>
</compile_context>

<pallas_src>
import jax
import jax.numpy as jnp
from jax import lax
from jax.experimental import pallas as pl
from jax.experimental.pallas import tpu as pltpu
from jax.experimental.pallas import tpu_sc as plsc

_N = 1024
_A = 128
_IN = 512
_C = 10000
_BC = 2000
_NB = _C // _BC

_NC = 1
_NS = 16
_NW = _NC * _NS
_BPW = _N // _NW


def _gather_body(table_hbm, idx_hbm, out_hbm, idx_v, rows_v, sem):
    wid = lax.axis_index("s") * _NC + lax.axis_index("c")
    base = wid * _BPW
    pltpu.sync_copy(idx_hbm.at[pl.ds(base, _BPW)], idx_v)
    pltpu.async_copy(table_hbm.at[idx_v], rows_v, sem).wait()
    pltpu.sync_copy(rows_v, out_hbm.at[pl.ds(base, _BPW)])


def _sc_gather(table, idx):
    mesh = plsc.VectorSubcoreMesh(core_axis_name="c", subcore_axis_name="s",
                                  num_cores=_NC)
    gk = pl.kernel(
        _gather_body,
        mesh=mesh,
        out_type=jax.ShapeDtypeStruct((_N, _A), jnp.float32),
        scratch_types=[
            pltpu.VMEM((_BPW,), jnp.int32),
            pltpu.VMEM((_BPW, _A), jnp.float32),
            pltpu.SemaphoreType.DMA,
        ],
    )
    return gk(table, idx)


def _tc1_body(x_ref, wb_ref, lblr_ref, ft_ref, cvy_ref):
    lblr = lblr_ref[...]
    ft = lax.dot_general(wb_ref[...], x_ref[...], (((1,), (1,)), ((), ())),
                         preferred_element_type=jnp.float32)
    same = (jnp.transpose(lblr) == lblr).astype(jnp.float32)
    cnt = jnp.sum(same, axis=0, keepdims=True)
    sameb = same.astype(jnp.bfloat16)
    sumf = lax.dot_general(ft.astype(jnp.bfloat16), sameb,
                           (((1,), (0,)), ((), ())),
                           preferred_element_type=jnp.float32)
    sumf2 = lax.dot_general((ft * ft).astype(jnp.bfloat16), sameb,
                            (((1,), (0,)), ((), ())),
                            preferred_element_type=jnp.float32)
    ave = sumf / cnt
    ft_ref[...] = ft
    cvy_ref[...] = sumf2 / cnt - ave * ave


def _tc1_call(x, wb, lblr):
    return pl.pallas_call(
        _tc1_body,
        out_shape=[
            jax.ShapeDtypeStruct((_A, _N), jnp.float32),
            jax.ShapeDtypeStruct((_A, _N), jnp.float32),
        ],
    )(x, wb, lblr)


def _tc_body(ft_ref, cvy_ref, wy_ref, wfc_ref,
             ratio_ref, yt_ref, loss_ref,
             f_ref, a12_ref, c3_ref, s_ref, ll_ref):
    i = pl.program_id(0)
    ratio = ratio_ref[0, 0]

    @pl.when(i == 0)
    def _prologue():
        ft = ft_ref[...]
        cvy = cvy_ref[...]
        wyt = jnp.transpose(wy_ref[...])
        f_ref[...] = ft.astype(jnp.bfloat16)
        a12_ref[...] = jnp.concatenate(
            [(-ratio) * cvy * wyt, (0.5 * ratio) * cvy],
            axis=0).astype(jnp.bfloat16)
        c3_ref[...] = (0.5 * ratio) * jnp.sum(cvy * wyt * wyt, axis=0,
                                              keepdims=True)
        ll_ref[...] = jnp.sum(ft * wyt, axis=0, keepdims=True)
        s_ref[...] = jnp.zeros((1, _N), jnp.float32)

    w = wfc_ref[...].astype(jnp.bfloat16)
    wcat = jnp.concatenate([w, w * w], axis=1)
    g1 = lax.dot_general(w, f_ref[...], (((1,), (0,)), ((), ())),
                         preferred_element_type=jnp.float32)
    yt_ref[...] = g1
    aug = g1 + lax.dot_general(wcat, a12_ref[...], (((1,), (0,)), ((), ())),
                               preferred_element_type=jnp.float32)
    s_ref[...] = s_ref[...] + jnp.sum(jnp.exp(aug), axis=0, keepdims=True)

    @pl.when(i == _NB - 1)
    def _epilogue():
        logz = jnp.log(s_ref[...])
        loss_ref[0, 0] = jnp.mean(logz + c3_ref[...] - ll_ref[...])


def _tc_call(ft, cvy, wy, wfc, ratio2):
    return pl.pallas_call(
        _tc_body,
        grid=(_NB,),
        in_specs=[
            pl.BlockSpec((_A, _N), lambda i: (0, 0)),
            pl.BlockSpec((_A, _N), lambda i: (0, 0)),
            pl.BlockSpec((_N, _A), lambda i: (0, 0)),
            pl.BlockSpec((_BC, _A), lambda i: (i, 0)),
            pl.BlockSpec(memory_space=pltpu.SMEM),
        ],
        out_specs=[
            pl.BlockSpec((_BC, _N), lambda i: (i, 0)),
            pl.BlockSpec(memory_space=pltpu.SMEM),
        ],
        out_shape=[
            jax.ShapeDtypeStruct((_C, _N), jnp.float32),
            jax.ShapeDtypeStruct((1, 1), jnp.float32),
        ],
        scratch_shapes=[
            pltpu.VMEM((_A, _N), jnp.bfloat16),
            pltpu.VMEM((2 * _A, _N), jnp.bfloat16),
            pltpu.VMEM((1, _N), jnp.float32),
            pltpu.VMEM((1, _N), jnp.float32),
            pltpu.VMEM((1, _N), jnp.float32),
        ],
    )(ft, cvy, wy, wfc, ratio2)


def kernel(x, target_x, ratio, Wb, bb, Wfc, bfc, CoVariance, Ave, Amount):
    lbl = target_x.astype(jnp.int32)
    wy = _sc_gather(Wfc, lbl)
    ft, cvy = _tc1_call(x, Wb, lbl.reshape(1, _N))
    yt, loss2 = _tc_call(
        ft, cvy, wy, Wfc,
        jnp.asarray(ratio, jnp.float32).reshape(1, 1))
    return (loss2.reshape(()), yt.T)

# --- scband reference (transcript-rebuilt; emitter-appended) ---
"""Pipeline reference for scband-isdaloss-23072564314191 (READ-ONLY COPY).

The authoritative reference and input builder live on the scoring server;
editing this copy changes nothing except your own understanding.
"""

import jax, jax.numpy as jnp
import numpy as np

FEATURE_NUM = 128
CLASS_NUM = 10000
N = 1024
IN_DIM = 512


def setup_inputs(seed: int = 0) -> dict:
    key = jax.random.key(seed)
    ks = jax.random.split(key, 6)
    x = jax.random.normal(ks[0], (N, IN_DIM), dtype=jnp.float32)
    target_x = jax.random.randint(ks[1], (N,), 0, CLASS_NUM, dtype=jnp.int64) if jax.config.jax_enable_x64 else jax.random.randint(ks[1], (N,), 0, CLASS_NUM, dtype=jnp.int32)
    Wb = jax.random.normal(ks[2], (FEATURE_NUM, IN_DIM), dtype=jnp.float32) * 0.02
    bb = jnp.zeros((FEATURE_NUM,), dtype=jnp.float32)
    Wfc = jax.random.normal(ks[3], (CLASS_NUM, FEATURE_NUM), dtype=jnp.float32) * 0.02
    bfc = jnp.zeros((CLASS_NUM,), dtype=jnp.float32)
    CoVariance = jnp.zeros((CLASS_NUM, FEATURE_NUM), dtype=jnp.float32)
    Ave = jnp.zeros((CLASS_NUM, FEATURE_NUM), dtype=jnp.float32)
    Amount = jnp.zeros((CLASS_NUM,), dtype=jnp.float32)
    ratio = jnp.float32(0.5)
    return {"x": x, "target_x": target_x, "ratio": ratio, "Wb": Wb, "bb": bb,
            "Wfc": Wfc, "bfc": bfc, "CoVariance": CoVariance, "Ave": Ave, "Amount": Amount}


def _update_cv(features, labels, CoVariance, Ave, Amount):
    # Faithful math of EstimatorCV.update_CV, computed via one-hot aggregation
    # (identical values to the NxCxA expand formulation, without the N*C*A temporaries).
    C = CLASS_NUM
    onehot = jax.nn.one_hot(labels, C, dtype=jnp.float32)  # [N, C]
    counts = onehot.sum(0)                                  # [C]
    cnt_clamped = jnp.where(counts == 0, 1.0, counts)[:, None]  # Amount_CxA with zeros -> 1
    sum_f = onehot.T @ features                             # [C, A] scatter-add by class
    ave_CxA = sum_f / cnt_clamped
    sum_f2 = onehot.T @ (features ** 2)
    # sum_{i in c} (f_i - ave_c)^2 / cnt = sum_f2/cnt - ave^2 * (counts/cnt)
    var_temp = sum_f2 / cnt_clamped - (ave_CxA ** 2) * (counts[:, None] / cnt_clamped)
    denom = counts + Amount                                 # [C]
    weight_CV = counts / jnp.where(denom == 0, 1.0, denom)  # NaN (0/0) -> 0, matching torch
    weight_CV = weight_CV[:, None]                          # [C, 1]
    additional_CV = weight_CV * (1.0 - weight_CV) * (Ave - ave_CxA) ** 2
    new_CV = CoVariance * (1.0 - weight_CV) + var_temp * weight_CV + additional_CV
    new_Ave = Ave * (1.0 - weight_CV) + ave_CxA * weight_CV
    new_Amount = Amount + counts
    return new_CV, new_Ave, new_Amount


def reference(x, target_x, ratio, Wb, bb, Wfc, bfc, CoVariance, Ave, Amount):
    # model(x, isda=True): linear backbone then fc head
    features = x @ Wb.T + bb              # [N, A]
    y = features @ Wfc.T + bfc            # [N, C]
    f_d = jax.lax.stop_gradient(features)  # features.detach()
    new_CV, new_Ave, new_Amount = _update_cv(f_d, target_x, CoVariance, Ave, Amount)
    cv = jax.lax.stop_gradient(new_CV)     # CoVariance.detach()
    # isda_aug: sigma2[n,c] = ratio * sum_a (W[c,a] - W[y_n,a])^2 * CV[y_n,a]
    CVy = cv[target_x]                     # [N, A] gather
    Wy = Wfc[target_x]                     # [N, A] gather (NxW_kj)
    term1 = CVy @ (Wfc ** 2).T             # [N, C]
    term2 = (CVy * Wy) @ Wfc.T             # [N, C]
    term3 = jnp.sum(CVy * (Wy ** 2), axis=1, keepdims=True)  # [N, 1]
    sigma2 = ratio * (term1 - 2.0 * term2 + term3)
    aug_y = y + 0.5 * sigma2
    # cross entropy (mean reduction)
    logZ = jax.scipy.special.logsumexp(aug_y, axis=1)
    ll = jnp.take_along_axis(aug_y, target_x[:, None], axis=1)[:, 0]
    loss = jnp.mean(logZ - ll)
    return (loss, y)

if __name__ == "__main__":
    import jax
    _d = setup_inputs()
    print(jax.jit(kernel)(*tuple(_d.values())))

</pallas_src>

<mosaic_0001>
#map = affine_map<(d0, d1) -> (0, 0)>
#map1 = affine_map<(d0, d1) -> (0)>
module attributes {stable_mosaic.version = 14 : i64} {
  func.func @_gather_body(%arg0: i32, %arg1: i32, %arg2: memref<10000x128xf32, #tpu.memory_space<hbm>>, %arg3: memref<1024xi32, #tpu.memory_space<hbm>>, %arg4: memref<1024x128xf32, #tpu.memory_space<hbm>>, %arg5: memref<64xi32, #tpu.memory_space<vmem>>, %arg6: memref<64x128xf32, #tpu.memory_space<vmem>>, %arg7: memref<!tpu.dma_semaphore, #tpu.memory_space<semaphore_mem>>) attributes {dimension_semantics = [#tpu.dimension_semantics<core_parallel>, #tpu.dimension_semantics<subcore_parallel>], iteration_bounds = array<i64: 1, 16>, scalar_prefetch = 0 : i64, scratch_operands = 3 : i64, tpu.core_type = #tpu.core_type<sc_vector_subcore>, window_params = [{transform_indices = #map}, {transform_indices = #map1}, {transform_indices = #map}]} {
    %mul3A = arith.constant 1 : i32
    %mul3A_0 = arith.muli %arg1, %mul3A : i32
    %add3A = arith.addi %mul3A_0, %arg0 : i32
    %mul3A_1 = arith.constant 64 : i32
    %mul3A_2 = arith.muli %add3A, %mul3A_1 : i32
    "tpu.region"() ({
      %run_scoped3A = tpu.sem_alloc : memref<!tpu.dma_semaphore, #tpu.memory_space<semaphore_mem>>
      %dma_start3A_7 = tpu.memref_slice %arg3[%mul3A_2] : memref<1024xi32, #tpu.memory_space<hbm>> -> memref<64xi32, #tpu.memory_space<hbm>>
      %dma_start3A_8 = tpu.memref_slice %arg3[%mul3A_2] : memref<1024xi32, #tpu.memory_space<hbm>> -> memref<64xi32, #tpu.memory_space<hbm>>
      tpu.enqueue_dma source(%dma_start3A_8 : memref<64xi32, #tpu.memory_space<hbm>>) target(%arg5 : memref<64xi32, #tpu.memory_space<vmem>>) target_semaphore(%run_scoped3A : memref<!tpu.dma_semaphore, #tpu.memory_space<semaphore_mem>>)
      %dma_wait3A_9 = tpu.memref_slice %arg3[%mul3A_2] : memref<1024xi32, #tpu.memory_space<hbm>> -> memref<64xi32, #tpu.memory_space<hbm>>
      %dma_wait3A_10 = tpu.memref_slice %arg3[%mul3A_2] : memref<1024xi32, #tpu.memory_space<hbm>> -> memref<64xi32, #tpu.memory_space<hbm>>
      tpu.wait_dma2 semaphore(%run_scoped3A : memref<!tpu.dma_semaphore, #tpu.memory_space<semaphore_mem>>) src(%dma_wait3A_10 : memref<64xi32, #tpu.memory_space<hbm>>) dst(%arg5 : memref<64xi32, #tpu.memory_space<vmem>>)
      tpu.yield
    }) : () -> ()
    %dma_start3A = arith.constant 0 : i32
    %dma_start3A_3 = arith.constant 0 : i32
    %dma_start3A_4 = tpu.memref_slice %arg2[%dma_start3A, %dma_start3A_3] : memref<10000x128xf32, #tpu.memory_space<hbm>> -> memref<10000x128xf32, #tpu.memory_space<hbm>>
    tpu.enqueue_indirect_dma source(%dma_start3A_4 : memref<10000x128xf32, #tpu.memory_space<hbm>>) target(%arg6 : memref<64x128xf32, #tpu.memory_space<vmem>>) offsets(%arg5 : memref<64xi32, #tpu.memory_space<vmem>>) semaphore(%arg7 : memref<!tpu.dma_semaphore, #tpu.memory_space<semaphore_mem>>)
    %dma_wait3A = arith.constant 0 : i32
    %dma_wait3A_5 = arith.constant 0 : i32
    %dma_wait3A_6 = tpu.memref_slice %arg2[%dma_wait3A, %dma_wait3A_5] : memref<10000x128xf32, #tpu.memory_space<hbm>> -> memref<10000x128xf32, #tpu.memory_space<hbm>>
    tpu.wait_indirect_dma semaphore(%arg7 : memref<!tpu.dma_semaphore, #tpu.memory_space<semaphore_mem>>) src(%dma_wait3A_6 : memref<10000x128xf32, #tpu.memory_space<hbm>>) dst(%arg6 : memref<64x128xf32, #tpu.memory_space<vmem>>)
    "tpu.region"() ({
      %run_scoped3A = tpu.sem_alloc : memref<!tpu.dma_semaphore, #tpu.memory_space<semaphore_mem>>
      %dma_start3A_7 = arith.constant 0 : i32
      %dma_start3A_8 = tpu.memref_slice %arg4[%mul3A_2, %dma_start3A_7] : memref<1024x128xf32, #tpu.memory_space<hbm>> -> memref<64x128xf32, #tpu.memory_space<hbm>>
      %dma_start3A_9 = arith.constant 0 : i32
      %dma_start3A_10 = tpu.memref_slice %arg4[%mul3A_2, %dma_start3A_9] : memref<1024x128xf32, #tpu.memory_space<hbm>> -> memref<64x128xf32, #tpu.memory_space<hbm>>
      tpu.enqueue_dma source(%arg6 : memref<64x128xf32, #tpu.memory_space<vmem>>) target(%dma_start3A_10 : memref<64x128xf32, #tpu.memory_space<hbm>>) target_semaphore(%run_scoped3A : memref<!tpu.dma_semaphore, #tpu.memory_space<semaphore_mem>>)
      %dma_wait3A_11 = arith.constant 0 : i32
      %dma_wait3A_12 = tpu.memref_slice %arg4[%mul3A_2, %dma_wait3A_11] : memref<1024x128xf32, #tpu.memory_space<hbm>> -> memref<64x128xf32, #tpu.memory_space<hbm>>
      %dma_wait3A_13 = arith.constant 0 : i32
      %dma_wait3A_14 = tpu.memref_slice %arg4[%mul3A_2, %dma_wait3A_13] : memref<1024x128xf32, #tpu.memory_space<hbm>> -> memref<64x128xf32, #tpu.memory_space<hbm>>
      tpu.wait_dma2 semaphore(%run_scoped3A : memref<!tpu.dma_semaphore, #tpu.memory_space<semaphore_mem>>) src(%arg6 : memref<64x128xf32, #tpu.memory_space<vmem>>) dst(%dma_wait3A_14 : memref<64x128xf32, #tpu.memory_space<hbm>>)
      tpu.yield
    }) : () -> ()
    return
  }
}

module attributes {stable_mosaic.version = 14 : i64} {
  func.func @_tc_body(%arg0: i32, %arg1: memref<128x1024xf32, #tpu.memory_space<vmem>>, %arg2: memref<128x1024xf32, #tpu.memory_space<vmem>>, %arg3: memref<1024x128xf32, #tpu.memory_space<vmem>>, %arg4: memref<2000x128xf32, #tpu.memory_space<vmem>>, %arg5: memref<1x1xf32, #tpu.memory_space<smem>>, %arg6: memref<2000x1024xf32, #tpu.memory_space<vmem>>, %arg7: memref<1x1xf32, #tpu.memory_space<smem>>, %arg8: memref<128x1024xbf16, #tpu.memory_space<vmem>>, %arg9: memref<256x1024xbf16, #tpu.memory_space<vmem>>, %arg10: memref<1x1024xf32, #tpu.memory_space<vmem>>, %arg11: memref<1x1024xf32, #tpu.memory_space<vmem>>, %arg12: memref<1x1024xf32, #tpu.memory_space<vmem>>) attributes {dimension_semantics = [#tpu.dimension_semantics<arbitrary>], iteration_bounds = array<i64: 5>, scalar_prefetch = 0 : i64, scratch_operands = 5 : i64, tpu.core_type = #tpu.core_type<tc>, window_params = [{pipeline_mode = #tpu.pipeline_mode<synchronous>, transform_indices = @transform_0, window_bounds = array<i64: 128, 1024>}, {pipeline_mode = #tpu.pipeline_mode<synchronous>, transform_indices = @transform_1, window_bounds = array<i64: 128, 1024>}, {pipeline_mode = #tpu.pipeline_mode<synchronous>, transform_indices = @transform_2, window_bounds = array<i64: 1024, 128>}, {transform_indices = @transform_3, window_bounds = array<i64: 2000, 128>}, {transform_indices = @transform_4, window_bounds = array<i64: 1, 1>}, {transform_indices = @transform_5, window_bounds = array<i64: 2000, 1024>}, {transform_indices = @transform_6, window_bounds = array<i64: 1, 1>}]} {
    %get3A = arith.constant 0 : index
    %get3A_0 = arith.constant 0 : index
    %get3A_1 = memref.load %arg5[%get3A, %get3A_0] : memref<1x1xf32, #tpu.memory_space<smem>>
    %eq3A = arith.constant 0 : i32
    %eq3A_2 = arith.cmpi eq, %arg0, %eq3A : i32
    %convert_element_type3A = arith.extui %eq3A_2 : i1 to i32
    %cond3A = arith.constant 0 : i32
    %cond3A_3 = arith.cmpi ne, %convert_element_type3A, %cond3A : i32
    scf.if %cond3A_3 {
      %get3A_32 = arith.constant 0 : index
      %get3A_33 = arith.constant 0 : index
      %get3A_34 = vector.load %arg1[%get3A_32, %get3A_33] : memref<128x1024xf32, #tpu.memory_space<vmem>>, vector<128x1024xf32>
      %get3A_35 = arith.constant 0 : index
      %get3A_36 = arith.constant 0 : index
      %get3A_37 = vector.load %arg2[%get3A_35, %get3A_36] : memref<128x1024xf32, #tpu.memory_space<vmem>>, vector<128x1024xf32>
      %get3A_38 = arith.constant 0 : index
      %get3A_39 = arith.constant 0 : index
      %get3A_40 = vector.load %arg3[%get3A_38, %get3A_39] : memref<1024x128xf32, #tpu.memory_space<vmem>>, vector<1024x128xf32>
      %transpose3A = tpu.transpose %get3A_40, [1, 0] : vector<1024x128xf32> -> vector<128x1024xf32>
      %convert_element_type3A_41 = arith.truncf %get3A_34 : vector<128x1024xf32> to vector<128x1024xbf16>
      %swap3A_42 = arith.constant 0 : index
      %swap3A_43 = arith.constant 0 : index
      %swap3A_44 = vector.load %arg8[%swap3A_42, %swap3A_43] : memref<128x1024xbf16, #tpu.memory_space<vmem>>, vector<128x1024xbf16>
      tpu.vector_store %arg8[%swap3A_42, %swap3A_43], %convert_element_type3A_41 {strides = array<i32>} : memref<128x1024xbf16, #tpu.memory_space<vmem>>, vector<128x1024xbf16>,
      %neg3A = arith.constant 0.000000e+00 : f32
      %neg3A_45 = arith.subf %neg3A, %get3A_1 : f32
      %mul3A_46 = vector.broadcast %neg3A_45 : f32 to vector<128x1024xf32>
      %mul3A_47 = arith.mulf %mul3A_46, %get3A_37 : vector<128x1024xf32>
      %mul3A_48 = arith.mulf %mul3A_47, %transpose3A : vector<128x1024xf32>
      %mul3A_49 = arith.constant 5.000000e-01 : f32
      %mul3A_50 = arith.mulf %mul3A_49, %get3A_1 : f32
      %mul3A_51 = vector.broadcast %mul3A_50 : f32 to vector<128x1024xf32>
      %mul3A_52 = arith.mulf %mul3A_51, %get3A_37 : vector<128x1024xf32>
      %concatenate3A_53 = tpu.concatenate %mul3A_48, %mul3A_52 in 0 : vector<128x1024xf32>, vector<128x1024xf32> -> vector<256x1024xf32>
      %convert_element_type3A_54 = arith.truncf %concatenate3A_53 : vector<256x1024xf32> to vector<256x1024xbf16>
      %swap3A_55 = arith.constant 0 : index
      %swap3A_56 = arith.constant 0 : index
      %swap3A_57 = vector.load %arg9[%swap3A_55, %swap3A_56] : memref<256x1024xbf16, #tpu.memory_space<vmem>>, vector<256x1024xbf16>
      tpu.vector_store %arg9[%swap3A_55, %swap3A_56], %convert_element_type3A_54 {strides = array<i32>} : memref<256x1024xbf16, #tpu.memory_space<vmem>>, vector<256x1024xbf16>,
      %mul3A_58 = arith.constant 5.000000e-01 : f32
      %mul3A_59 = arith.mulf %mul3A_58, %get3A_1 : f32
      %mul3A_60 = arith.mulf %get3A_37, %transpose3A : vector<128x1024xf32>
      %mul3A_61 = arith.mulf %mul3A_60, %transpose3A : vector<128x1024xf32>
      %reduce_sum3A_62 = arith.constant dense<0.000000e+00> : vector<1024xf32>
      %reduce_sum3A_63 = vector.multi_reduction <add>, %mul3A_61, %reduce_sum3A_62 [0] : vector<128x1024xf32> to vector<1024xf32>
      %broadcast_in_dim3A_64 = vector.shape_cast %reduce_sum3A_63 : vector<1024xf32> to vector<1x1024xf32>
      %mul3A_65 = vector.broadcast %mul3A_59 : f32 to vector<1x1024xf32>
      %mul3A_66 = arith.mulf %mul3A_65, %broadcast_in_dim3A_64 : vector<1x1024xf32>
      %swap3A_67 = arith.constant 0 : index
      %swap3A_68 = arith.constant 0 : index
      %swap3A_69 = vector.load %arg10[%swap3A_67, %swap3A_68] : memref<1x1024xf32, #tpu.memory_space<vmem>>, vector<1x1024xf32>
      tpu.vector_store %arg10[%swap3A_67, %swap3A_68], %mul3A_66 {strides = array<i32>} : memref<1x1024xf32, #tpu.memory_space<vmem>>, vector<1x1024xf32>,
      %mul3A_70 = arith.mulf %get3A_34, %transpose3A : vector<128x1024xf32>
      %reduce_sum3A_71 = arith.constant dense<0.000000e+00> : vector<1024xf32>
      %reduce_sum3A_72 = vector.multi_reduction <add>, %mul3A_70, %reduce_sum3A_71 [0] : vector<128x1024xf32> to vector<1024xf32>
      %broadcast_in_dim3A_73 = vector.shape_cast %reduce_sum3A_72 : vector<1024xf32> to vector<1x1024xf32>
      %swap3A_74 = arith.constant 0 : index
      %swap3A_75 = arith.constant 0 : index
      %swap3A_76 = vector.load %arg12[%swap3A_74, %swap3A_75] : memref<1x1024xf32, #tpu.memory_space<vmem>>, vector<1x1024xf32>
      tpu.vector_store %arg12[%swap3A_74, %swap3A_75], %broadcast_in_dim3A_73 {strides = array<i32>} : memref<1x1024xf32, #tpu.memory_space<vmem>>, vector<1x1024xf32>,
      %broadcast_in_dim3A_77 = arith.constant 0.000000e+00 : f32
      %broadcast_in_dim3A_78 = vector.broadcast %broadcast_in_dim3A_77 : f32 to vector<1x1024xf32>
      %swap3A_79 = arith.constant 0 : index
      %swap3A_80 = arith.constant 0 : index
      %swap3A_81 = vector.load %arg11[%swap3A_79, %swap3A_80] : memref<1x1024xf32, #tpu.memory_space<vmem>>, vector<1x1024xf32>
      tpu.vector_store %arg11[%swap3A_79, %swap3A_80], %broadcast_in_dim3A_78 {strides = array<i32>} : memref<1x1024xf32, #tpu.memory_space<vmem>>, vector<1x1024xf32>,
    } else {
    }
    %get3A_4 = arith.constant 0 : index
    %get3A_5 = arith.constant 0 : index
    %get3A_6 = vector.load %arg4[%get3A_4, %get3A_5] : memref<2000x128xf32, #tpu.memory_space<vmem>>, vector<2000x128xf32>
    %convert_element_type3A_7 = arith.truncf %get3A_6 : vector<2000x128xf32> to vector<2000x128xbf16>
    %mul3A = arith.mulf %convert_element_type3A_7, %convert_element_type3A_7 : vector<2000x128xbf16>
    %concatenate3A = tpu.concatenate %convert_element_type3A_7, %mul3A in 1 : vector<2000x128xbf16>, vector<2000x128xbf16> -> vector<2000x256xbf16>
    %get3A_8 = arith.constant 0 : index
    %get3A_9 = arith.constant 0 : index
    %get3A_10 = vector.load %arg8[%get3A_8, %get3A_9] : memref<128x1024xbf16, #tpu.memory_space<vmem>>, vector<128x1024xbf16>
    %dot_general3A = arith.constant dense<0.000000e+00> : vector<2000x1024xf32>
    %dot_general3A_11 = tpu.matmul %convert_element_type3A_7, %get3A_10, %dot_general3A {dimension_numbers = #tpu.dot_dimension_numbers<[1], [0], [0], [1], [0, 0, 1, 1], [], []>, transpose_lhs_hint = false} : vector<2000x128xbf16>, vector<128x1024xbf16>, vector<2000x1024xf32> -> vector<2000x1024xf32>
    %swap3A = arith.constant 0 : index
    %swap3A_12 = arith.constant 0 : index
    %swap3A_13 = vector.load %arg6[%swap3A, %swap3A_12] : memref<2000x1024xf32, #tpu.memory_space<vmem>>, vector<2000x1024xf32>
    tpu.vector_store %arg6[%swap3A, %swap3A_12], %dot_general3A_11 {strides = array<i32>} : memref<2000x1024xf32, #tpu.memory_space<vmem>>, vector<2000x1024xf32>,
    %get3A_14 = arith.constant 0 : index
    %get3A_15 = arith.constant 0 : index
    %get3A_16 = vector.load %arg9[%get3A_14, %get3A_15] : memref<256x1024xbf16, #tpu.memory_space<vmem>>, vector<256x1024xbf16>
    %dot_general3A_17 = arith.constant dense<0.000000e+00> : vector<2000x1024xf32>
    %dot_general3A_18 = tpu.matmul %concatenate3A, %get3A_16, %dot_general3A_17 {dimension_numbers = #tpu.dot_dimension_numbers<[1], [0], [0], [1], [0, 0, 1, 1], [], []>, transpose_lhs_hint = false} : vector<2000x256xbf16>, vector<256x1024xbf16>, vector<2000x1024xf32> -> vector<2000x1024xf32>
    %add3A = arith.addf %dot_general3A_11, %dot_general3A_18 : vector<2000x1024xf32>
    %get3A_19 = arith.constant 0 : index
    %get3A_20 = arith.constant 0 : index
    %get3A_21 = vector.load %arg11[%get3A_19, %get3A_20] : memref<1x1024xf32, #tpu.memory_space<vmem>>, vector<1x1024xf32>
    %exp3A = math.exp %add3A : vector<2000x1024xf32>
    %reduce_sum3A = arith.constant dense<0.000000e+00> : vector<1024xf32>
    %reduce_sum3A_22 = vector.multi_reduction <add>, %exp3A, %reduce_sum3A [0] : vector<2000x1024xf32> to vector<1024xf32>
    %broadcast_in_dim3A = vector.shape_cast %reduce_sum3A_22 : vector<1024xf32> to vector<1x1024xf32>
    %add3A_23 = arith.addf %get3A_21, %broadcast_in_dim3A : vector<1x1024xf32>
    %swap3A_24 = arith.constant 0 : index
    %swap3A_25 = arith.constant 0 : index
    %swap3A_26 = vector.load %arg11[%swap3A_24, %swap3A_25] : memref<1x1024xf32, #tpu.memory_space<vmem>>, vector<1x1024xf32>
    tpu.vector_store %arg11[%swap3A_24, %swap3A_25], %add3A_23 {strides = array<i32>} : memref<1x1024xf32, #tpu.memory_space<vmem>>, vector<1x1024xf32>,
    %eq3A_27 = arith.constant 4 : i32
    %eq3A_28 = arith.cmpi eq, %arg0, %eq3A_27 : i32
    %convert_element_type3A_29 = arith.extui %eq3A_28 : i1 to i32
    %cond3A_30 = arith.constant 0 : i32
    %cond3A_31 = arith.cmpi ne, %convert_element_type3A_29, %cond3A_30 : i32
    scf.if %cond3A_31 {
      %get3A_32 = arith.constant 0 : index
      %get3A_33 = arith.constant 0 : index
      %get3A_34 = vector.load %arg11[%get3A_32, %get3A_33] : memref<1x1024xf32, #tpu.memory_space<vmem>>, vector<1x1024xf32>
      %log3A = math.log %get3A_34 : vector<1x1024xf32>
      %get3A_35 = arith.constant 0 : index
      %get3A_36 = arith.constant 0 : index
      %get3A_37 = vector.load %arg10[%get3A_35, %get3A_36] : memref<1x1024xf32, #tpu.memory_space<vmem>>, vector<1x1024xf32>
      %add3A_38 = arith.addf %log3A, %get3A_37 : vector<1x1024xf32>
      %get3A_39 = arith.constant 0 : index
      %get3A_40 = arith.constant 0 : index
      %get3A_41 = vector.load %arg12[%get3A_39, %get3A_40] : memref<1x1024xf32, #tpu.memory_space<vmem>>, vector<1x1024xf32>
      %sub3A = arith.subf %add3A_38, %get3A_41 : vector<1x1024xf32>
      %reduce_sum3A_42 = vector.shape_cast %sub3A : vector<1x1024xf32> to vector<1x1x1024xf32>
      %reduce_sum3A_43 = arith.constant dense<0.000000e+00> : vector<1xf32>
      %reduce_sum3A_44 = vector.multi_reduction <add>, %reduce_sum3A_42, %reduce_sum3A_43 [1, 2] : vector<1x1x1024xf32> to vector<1xf32>
      %reduce_sum3A_45 = vector.shape_cast %reduce_sum3A_44 : vector<1xf32> to vector<1x1x1xf32>
      %reduce_sum3A_46 = vector.extract %reduce_sum3A_45[0, 0, 0] : f32 from vector<1x1x1xf32>
      %div3A = arith.constant 1.024000e+03 : f32
      %div3A_47 = arith.divf %reduce_sum3A_46, %div3A : f32
      %swap3A_48 = arith.constant 0 : index
      %swap3A_49 = arith.constant 0 : index
      %swap3A_50 = memref.load %arg7[%swap3A_48, %swap3A_49] : memref<1x1xf32, #tpu.memory_space<smem>>
      memref.store %div3A_47, %arg7[%swap3A_48, %swap3A_49] : memref<1x1xf32, #tpu.memory_space<smem>>
    } else {
    }
    return
  }
  func.func @transform_0(%arg0: i32) -> (i32, i32) {
    %c0_i32 = arith.constant 0 : i32
    %c0_i32_0 = arith.constant 0 : i32
    %c0_i32_1 = arith.constant 0 : i32
    return %c0_i32, %c0_i32_0 : i32, i32
  }
  func.func @transform_1(%arg0: i32) -> (i32, i32) {
    %c0_i32 = arith.constant 0 : i32
    %c0_i32_0 = arith.constant 0 : i32
    %c0_i32_1 = arith.constant 0 : i32
    return %c0_i32, %c0_i32_0 : i32, i32
  }
  func.func @transform_2(%arg0: i32) -> (i32, i32) {
    %c0_i32 = arith.constant 0 : i32
    %c0_i32_0 = arith.constant 0 : i32
    %c0_i32_1 = arith.constant 0 : i32
    return %c0_i32, %c0_i32_0 : i32, i32
  }
  func.func @transform_3(%arg0: i32) -> (i32, i32) {
    %c0_i32 = arith.constant 0 : i32
    %c0_i32_0 = arith.constant 0 : i32
    return %arg0, %c0_i32 : i32, i32
  }
  func.func @transform_4(%arg0: i32) -> (i32, i32) {
    %c0_i32 = arith.constant 0 : i32
    %c0_i32_0 = arith.constant 0 : i32
    %c0_i32_1 = arith.constant 0 : i32
    return %c0_i32, %c0_i32_0 : i32, i32
  }
  func.func @transform_5(%arg0: i32) -> (i32, i32) {
    %c0_i32 = arith.constant 0 : i32
    %c0_i32_0 = arith.constant 0 : i32
    return %arg0, %c0_i32 : i32, i32
  }
  func.func @transform_6(%arg0: i32) -> (i32, i32) {
    %c0_i32 = arith.constant 0 : i32
    %c0_i32_0 = arith.constant 0 : i32
    %c0_i32_1 = arith.constant 0 : i32
    return %c0_i32, %c0_i32_0 : i32, i32
  }
}

module attributes {stable_mosaic.version = 14 : i64} {
  func.func @_tc1_body(%arg0: memref<1024x512xf32, #tpu.memory_space<vmem>>, %arg1: memref<128x512xf32, #tpu.memory_space<vmem>>, %arg2: memref<1x1024xi32, #tpu.memory_space<vmem>>, %arg3: memref<128x1024xf32, #tpu.memory_space<vmem>>, %arg4: memref<128x1024xf32, #tpu.memory_space<vmem>>) attributes {dimension_semantics = [], scalar_prefetch = 0 : i64, scratch_operands = 0 : i64, tpu.core_type = #tpu.core_type<tc>} {
    %get3A = arith.constant 0 : index
    %get3A_0 = arith.constant 0 : index
    %get3A_1 = vector.load %arg2[%get3A, %get3A_0] : memref<1x1024xi32, #tpu.memory_space<vmem>>, vector<1x1024xi32>
    %get3A_2 = arith.constant 0 : index
    %get3A_3 = arith.constant 0 : index
    %get3A_4 = vector.load %arg1[%get3A_2, %get3A_3] : memref<128x512xf32, #tpu.memory_space<vmem>>, vector<128x512xf32>
    %get3A_5 = arith.constant 0 : index
    %get3A_6 = arith.constant 0 : index
    %get3A_7 = vector.load %arg0[%get3A_5, %get3A_6] : memref<1024x512xf32, #tpu.memory_space<vmem>>, vector<1024x512xf32>
    %dot_general3A = arith.constant dense<0.000000e+00> : vector<128x1024xf32>
    %dot_general3A_8 = tpu.matmul %get3A_4, %get3A_7, %dot_general3A {dimension_numbers = #tpu.dot_dimension_numbers<[1], [1], [0], [0], [0, 0, 1, 0], [], []>, transpose_lhs_hint = false} : vector<128x512xf32>, vector<1024x512xf32>, vector<128x1024xf32> -> vector<128x1024xf32>
    %transpose3A = tpu.transpose %get3A_1, [1, 0] : vector<1x1024xi32> -> vector<1024x1xi32>
    %eq3A = vector.broadcast %transpose3A : vector<1024x1xi32> to vector<1024x1024xi32>
    %eq3A_9 = vector.broadcast %get3A_1 : vector<1x1024xi32> to vector<1024x1024xi32>
    %eq3A_10 = arith.cmpi eq, %eq3A, %eq3A_9 : vector<1024x1024xi32>
    %convert_element_type3A = arith.extui %eq3A_10 : vector<1024x1024xi1> to vector<1024x1024xi32>
    %convert_element_type3A_11 = arith.sitofp %convert_element_type3A : vector<1024x1024xi32> to vector<1024x1024xf32>
    %reduce_sum3A = arith.constant dense<0.000000e+00> : vector<1024xf32>
    %reduce_sum3A_12 = vector.multi_reduction <add>, %convert_element_type3A_11, %reduce_sum3A [0] : vector<1024x1024xf32> to vector<1024xf32>
    %broadcast_in_dim3A = vector.shape_cast %reduce_sum3A_12 : vector<1024xf32> to vector<1x1024xf32>
    %convert_element_type3A_13 = arith.truncf %convert_element_type3A_11 : vector<1024x1024xf32> to vector<1024x1024xbf16>
    %convert_element_type3A_14 = arith.truncf %dot_general3A_8 : vector<128x1024xf32> to vector<128x1024xbf16>
    %dot_general3A_15 = arith.constant dense<0.000000e+00> : vector<128x1024xf32>
    %dot_general3A_16 = tpu.matmul %convert_element_type3A_14, %convert_element_type3A_13, %dot_general3A_15 {dimension_numbers = #tpu.dot_dimension_numbers<[1], [0], [0], [1], [0, 0, 1, 1], [], []>, transpose_lhs_hint = false} : vector<128x1024xbf16>, vector<1024x1024xbf16>, vector<128x1024xf32> -> vector<128x1024xf32>
    %mul3A = arith.mulf %dot_general3A_8, %dot_general3A_8 : vector<128x1024xf32>
    %convert_element_type3A_17 = arith.truncf %mul3A : vector<128x1024xf32> to vector<128x1024xbf16>
    %dot_general3A_18 = arith.constant dense<0.000000e+00> : vector<128x1024xf32>
    %dot_general3A_19 = tpu.matmul %convert_element_type3A_17, %convert_element_type3A_13, %dot_general3A_18 {dimension_numbers = #tpu.dot_dimension_numbers<[1], [0], [0], [1], [0, 0, 1, 1], [], []>, transpose_lhs_hint = false} : vector<128x1024xbf16>, vector<1024x1024xbf16>, vector<128x1024xf32> -> vector<128x1024xf32>
    %div3A = vector.broadcast %broadcast_in_dim3A : vector<1x1024xf32> to vector<128x1024xf32>
    %div3A_20 = arith.divf %dot_general3A_16, %div3A : vector<128x1024xf32>
    %swap3A = arith.constant 0 : index
    %swap3A_21 = arith.constant 0 : index
    %swap3A_22 = vector.load %arg3[%swap3A, %swap3A_21] : memref<128x1024xf32, #tpu.memory_space<vmem>>, vector<128x1024xf32>
    tpu.vector_store %arg3[%swap3A, %swap3A_21], %dot_general3A_8 {strides = array<i32>} : memref<128x1024xf32, #tpu.memory_space<vmem>>, vector<128x1024xf32>,
    %div3A_23 = vector.broadcast %broadcast_in_dim3A : vector<1x1024xf32> to vector<128x1024xf32>
    %div3A_24 = arith.divf %dot_general3A_19, %div3A_23 : vector<128x1024xf32>
    %mul3A_25 = arith.mulf %div3A_20, %div3A_20 : vector<128x1024xf32>
    %sub3A = arith.subf %div3A_24, %mul3A_25 : vector<128x1024xf32>
    %swap3A_26 = arith.constant 0 : index
    %swap3A_27 = arith.constant 0 : index
    %swap3A_28 = vector.load %arg4[%swap3A_26, %swap3A_27] : memref<128x1024xf32, #tpu.memory_space<vmem>>, vector<128x1024xf32>
    tpu.vector_store %arg4[%swap3A_26, %swap3A_27], %sub3A {strides = array<i32>} : memref<128x1024xf32, #tpu.memory_space<vmem>>, vector<128x1024xf32>,
    return
  }
}

</mosaic_0001>

<sc_bundles>
// kernel: kernel.5.cloned.1.call-start
scs
__scs_entry_jumppad:
0x0: {  	(pc) =	sbr.rel $0x88, $3  }
0x1: {  	(tag) =	ssettag $0x0;
	lr =	simm.s32 $0x1  }
0x2: {  	[smem:$0x3F9C] =	sst lr;
	_ =	strace $0xD0000000  }
0x3: {  	_ = 	snop  }
0x4: {  	_ = 	snop  }
0x5: {  	_ = 	snop  }
0x6: {  	_ = 	snop  }
0x7: {  	_ = 	snop  }
__scs_overlays_trampoline_lowered:
0x8: {  	[smem:$0x3FAB] =	sst s0  }
0x9: {  	[smem:$0x3FAC] =	sst s1  }
0xa: {  	[smem:$0x3FAD] =	sst s2  }
0xb: {  	[smem:$0x3FAE] =	sst s3  }
0xc: {  	[smem:$0x3FAF] =	sst s4  }
0xd: {  	[smem:$0x3FB0] =	sst s5  }
0xe: {  	[smem:$0x3FB1] =	sst s6  }
0xf: {  	[smem:$0x3FB2] =	sst s7  }
0x10: {  	[smem:$0x3FB3] =	sst s8  }
0x11: {  	[smem:$0x3FB4] =	sst s9;
	s0 =	simm.s32 @!p0 $0x0  }
0x12: {  	s1 =	sld [smem:$0x3F9A];
	s0 =	simm.s32 @p0 $0x1  }
0x13: {  	[smem:$0x3FB5] =	sst s0;
	s0 =	simm.s32 @!p1 $0x0  }
0x14: {  	s2 =	sld [smem:$0x3F99];
	s0 =	simm.s32 @p1 $0x1  }
0x15: {  	[smem:$0x3FB6] =	sst s0;
	s0 =	simm.s32 @!p2 $0x0  }
0x16: {  	s3 =	sld [smem:$0x3FDB];
	s0 =	simm.s32 @p2 $0x1  }
0x17: {  	s4 =	simm.s32 $0x1BF5;
	[smem:$0x3FB8] =	sst s0  }
0x18: {  	s0 =	sld [smem:$0x3F9B];
	_ =	swait.ge [sflag:s4], $0x0  }
0x19: {  	s7 =	sld [smem:$0x3F9C]  }
0x1a: {  	s8 =	sadd.s32 $0xFFFFE003, lr  }
0x1b: {  	s9 =	sadd.s32 $0xFFFFFEF7, lr;
	s5 =	simm.s32 $0xFFFFFFFF;
	p2 =	slt.u32 s8, $0xFFFFF086  }
0x1c: {  	p1 =	slt.u32 s9, $0xF7A;
	s5 =	simm.s32 @!p2 $0x0  }
0x1d: {  	s5 =	simm.s32 @p1 $0x1;
	p0 =	seq.s32 s7, s2  }
0x1e: {  	s7 =	smul.u32 @!p0 $0xF7A, s2;
	p2 =	seq.s32 @!p0 s5, $0x0  }
0x1f: {  	s9 =	smul.u32 $0xF7A, s1;
	s8 =	simm.s32 @!p0 $0x1BF5;
	p2 =	por !p2, p0  }
0x20: {  	[sflag:s8] =	ssyncset.s32 @!p0 $0xFFFFF086;
	s6 =	sadd.s32 @!p0 s3, s7;
	s7 =	simm.s32 @!p0 $0x108  }
0x21: {  	s3 =	sadd.s32 s3, s9;
	s6 =	sadd.s32 @!p0 $0x88, s6;
	s7 =	simm.s32 @p2 $0x1082  }
0x22: {  	[simem:s7], [sflag:s8] =	dma.local @!p0 [hbm:s6], $0xF7A  }
0x23: {  	s9 =	sor.u32 $0xD0000000, s2;
	s6 =	simm.s32 $0x108;
	_ =	swait.ge @!p0 [sflag:s8], $0x0  }
0x24: {  	s3 =	sadd.s32 $0x88, s3;
	s6 =	simm.s32 @!p1 $0x1082;
	[sflag:s4] =	ssyncset.s32 $0xFFFFF086  }
0x25: {  	[simem:s6], [sflag:s4] =	dma.local [hbm:s3], $0xF7A  }
0x26: {  	[smem:$0x3F9C] =	sst s1;
	(tag) =	ssettag s2;
	_ =	strace s9  }
0x27: {  	s1 =	sld [smem:$0x3FAC]  }
0x28: {  	s2 =	sld [smem:$0x3FAD]  }
0x29: {  	s4 =	sld [smem:$0x3FAF]  }
0x2a: {  	p0 =	seq.s32 s5, $0x0;
	s5 =	sld [smem:$0x3FB0]  }
0x2b: {  	s6 =	sld [smem:$0x3FB1]  }
0x2c: {  	s7 =	sld [smem:$0x3FB2]  }
0x2d: {  	s3 =	simm.s32 $0x108;
	s8 =	sld [smem:$0x3FB3]  }
0x2e: {  	s3 =	simm.s32 @!p0 $0x1082;
	s9 =	sld [smem:$0x3FB4]  }
0x2f: {  	lr =	sadd.s32 s0, s3;
	s0 =	sld [smem:$0x3FAB]  }
0x30: {  	s3 =	sld [smem:$0x3FAE]  }
0x31: {  	[smem:$0x3FB7] =	sst s10  }
0x32: {  	s10 =	sld [smem:$0x3FB5];
	_ =	sdelay $0x3  }
0x33: {  	p0 =	seq.s32 s10, $0x1;
	s10 =	sld [smem:$0x3FB7];
	_ =	sdelay $0x3  }
0x34: {  	[smem:$0x3FB7] =	sst s10  }
0x35: {  	s10 =	sld [smem:$0x3FB6];
	_ =	sdelay $0x3  }
0x36: {  	p1 =	seq.s32 s10, $0x1;
	s10 =	sld [smem:$0x3FB7];
	_ =	sdelay $0x3  }
0x37: {  	[smem:$0x3FB7] =	sst s10  }
0x38: {  	s10 =	sld [smem:$0x3FB8]  }
0x39: {  	_ = 	snop;
	(pc) =	sbr.ind lr, $3  }
0x3a: {  	_ = 	snop  }
0x3b: {  	_ = 	snop  }
0x3c: {  	p2 =	seq.s32 s10, $0x1;
	s10 =	sld [smem:$0x3FB7]  }
0x3d: {  	_ =	shalt  }
0x3e: {  	_ =	shalt  }
0x3f: {  	_ =	shalt  }
0x40: {  	_ =	shalt  }
0x41: {  	_ =	shalt  }
0x42: {  	_ =	shalt  }
0x43: {  	_ =	shalt  }
0x44: {  	_ =	shalt  }
0x45: {  	_ =	shalt  }
0x46: {  	_ =	shalt  }
0x47: {  	_ =	shalt  }
0x48: {  	_ =	shalt  }
0x49: {  	_ =	shalt  }
0x4a: {  	_ =	shalt  }
0x4b: {  	_ =	shalt  }
0x4c: {  	_ =	shalt  }
0x4d: {  	_ =	shalt  }
0x4e: {  	_ =	shalt  }
0x4f: {  	_ =	shalt  }
0x50: {  	_ =	shalt  }
0x51: {  	_ =	shalt  }
0x52: {  	_ =	shalt  }
0x53: {  	_ =	shalt  }
0x54: {  	_ =	shalt  }
0x55: {  	_ =	shalt  }
0x56: {  	_ =	shalt  }
0x57: {  	_ =	shalt  }
0x58: {  	_ =	shalt  }
0x59: {  	_ =	shalt  }
0x5a: {  	_ =	shalt  }
0x5b: {  	_ =	shalt  }
0x5c: {  	_ =	shalt  }
0x5d: {  	_ =	shalt  }
0x5e: {  	_ =	shalt  }
0x5f: {  	_ =	shalt  }
0x60: {  	_ =	shalt  }
0x61: {  	_ =	shalt  }
0x62: {  	_ =	shalt  }
0x63: {  	_ =	shalt  }
0x64: {  	_ =	shalt  }
0x65: {  	_ =	shalt  }
0x66: {  	_ =	shalt  }
0x67: {  	_ =	shalt  }
0x68: {  	_ =	shalt  }
0x69: {  	_ =	shalt  }
0x6a: {  	_ =	shalt  }
0x6b: {  	_ =	shalt  }
0x6c: {  	_ =	shalt  }
0x6d: {  	_ =	shalt  }
0x6e: {  	_ =	shalt  }
0x6f: {  	_ =	shalt  }
0x70: {  	_ =	shalt  }
0x71: {  	_ =	shalt  }
0x72: {  	_ =	shalt  }
0x73: {  	_ =	shalt  }
0x74: {  	_ =	shalt  }
0x75: {  	_ =	shalt  }
0x76: {  	_ =	shalt  }
0x77: {  	_ =	shalt  }
0x78: {  	_ =	shalt  }
0x79: {  	_ =	shalt  }
0x7a: {  	_ =	shalt  }
0x7b: {  	_ =	shalt  }
0x7c: {  	_ =	shalt  }
0x7d: {  	_ =	shalt  }
0x7e: {  	_ =	shalt  }
0x7f: {  	_ =	shalt  }
0x80: {  	_ =	shalt  }
0x81: {  	_ =	shalt  }
0x82: {  	_ =	shalt  }
0x83: {  	_ =	shalt  }
0x84: {  	_ =	shalt  }
0x85: {  	_ =	shalt  }
0x86: {  	_ =	shalt  }
0x87: {  	_ =	shalt  }
.Lfunc_end0:
.L_simem_size_0:
called_computation_lowered:
.L_overlay_start_0:
0x88: {  	s0 =	sld [smem:$0x3FD9]  }
0x89: {  	s1 =	sld [smem:$0x3FFE];
	_ =	sdelay $0x3  }
0x8a: {  	s0 =	sadd.s32 s1, s0  }
0x8b: {  	[smem:$0x3FC3] =	sst s0  }
0x8c: {  	_ = 	snop  }
0x8d: {  	s0 =	sld [smem:$0x3FD0];
	_ =	sdelay $0x1  }
0x8e: {  	s14 =	sld [smem:$0x3FC8]  }
0x8f: {  	s3 =	simm.s32 $0xA;
	s4 =	simm.s32 $0x10;
	s2 =	sld [smem:$0x3FC5]  }
0x90: {  	[smem:s4], [sflag:s3] =	dma.local [hbm:s0], $0x1  }
0x91: {  	_ =	swait.eq [sflag:s3], $0x1  }
0x92: {  	[sflag:s3] =	ssyncset.done $0x0  }
0x93: {  	[sflag:s3] =	ssyncadd.s32 $0xFFFFFFFF  }
0x94: {  	s15 =	sld [smem:$0x11];
	(tm) =	ssettm $0x1  }
0x95: {  	s16 =	sld [smem:$0x3FFB];
	_ =	sdelay $0x3  }
0x96: {  	_ =	strace s16  }
0x97: {  	s3 =	sld [smem:$0x3FFC];
	_ =	sdelay $0x3  }
0x98: {  	_ =	strace s3  }
0x99: {  	s3 =	sld [smem:$0x3FFD];
	_ =	sdelay $0x3  }
0x9a: {  	_ =	strace s3  }
0x9b: {  	_ =	strace $0x8FFFFFFF  }
0x9c: {  	s17 =	sld [smem:$0x3FDB];
	_ =	sdelay $0x1  }
0x9d: {  	s18 =	simm.s32 $_scs_section_size  }
0x9e: {  	s5 =	simm.s32 $_size__tile_overlayer_lowered;
	s6 =	simm.s32 $_tile_overlayer_lowered  }
0x9f: {  	s21 =	simm.s32 $0x1BFF;
	s20 =	sshll.u32 s6, $0x1;
	s3 =	sadd.s32 s18, s17  }
0xa0: {  	s7 =	simm.s32 $0x0;
	s19 =	sshll.u32 s5, $0x1;
	s5 =	sadd.s32 s20, s3  }
0xa1: {  	[timem:s7], [sflag:s21] =	dma.local [hbm:s5], s19  }
0xa2: {  	_ =	swait.ge [sflag:s21], s19  }
0xa3: {  	s4 =	ssub.s32 $0x0, s19;
	[sflag:s21] =	ssyncset.done $0x0  }
0xa4: {  	[sflag:s21] =	ssyncadd.s32 s4;
	_ =	sdelay $0x1  }
0xa5: {  	s22 =	simm.s32 $0x1B8B  }
0xa6: {  	_ =	swait.ge [sflag:s22], $0x1  }
0xa7: {  	[sflag:s22] =	ssyncset.done $0x0  }
0xa8: {  	s23 =	simm.s32 $0x1B8E;
	[sflag:s22] =	ssyncadd.s32 $0xFFFFFFFF  }
0xa9: {  	s24 =	simm.s32 $execute0_lowered;
	[smem:$0x3FD2] =	sst s23  }
0xaa: {  	s4 =	sshll.u32 s24, $0x1;
	_ =	strace $0x80000046;
	[dreg:$0x1] =	wrdreg $0xFFFFFFFF  }
0xab: {  	s25 =	simm.s32 $_size_execute0_lowered;
	s3 =	sadd.s32 s3, s4;
	[dreg:$0x0] =	wrdreg $0x0  }
0xac: {  	s4 =	sshll.u32 s25, $0x1;
	[dreg:$0x2] =	wrdreg s3  }
0xad: {  	[dreg:$0x3] =	wrdreg s4  }
0xae: {  	[dreg:$0x4] =	wrdreg $0xC0  }
0xaf: {  	_ =	task [dreg:s7], $0x5FFFF  }
0xb0: {  	[dreg:$0x1] =	wrdreg $0xFFFFFFFF  }
0xb1: {  	[dreg:$0x0] =	wrdreg $0x60  }
0xb2: {  	[dreg:$0x2] =	wrdreg s2  }
0xb3: {  	[dreg:$0x3] =	wrdreg s14  }
0xb4: {  	[dreg:$0x4] =	wrdreg s15  }
0xb5: {  	[dreg:$0x5] =	wrdreg $0x9  }
0xb6: {  	_ =	task.clear_ibuf [dreg:s7], $0x6FFFF;
	_ =	strace $0x90000046  }
0xb7: {  	s26 =	simm.s32 $0x9;
	_ =	strace $0x80000048  }
0xb8: {  	_ =	swait.ge [sflag:s26], $0x1  }
0xb9: {  	[sflag:s26] =	ssyncadd.s32 $0xFFFFFFFF  }
0xba: {  	_ =	strace $0x90000048  }
0xbb: {  	_ =	sfence  }
0xbc: {  	s28 =	sld [smem:$0x0];
	_ =	sdelay $0x1  }
0xbd: {  	s29 =	srdreg.scid  }
0xbe: {  	s30 =	sshll.u32 s29, $0xD;
	s31 =	sshrl.u32 s29, $0x2  }
0xbf: {  	s1 =	sand.u32 $0x1, s29;
	s2 =	sand.u32 $0x4000, s30;
	s0 =	sadd.s32 s31, s28  }
0xc0: {  	s1 =	sor.u32 s2, s1;
	s0 =	sshll.u32 s0, $0x11  }
0xc1: {  	s0 =	sor.u32 s0, s1  }
0xc2: {  	s0 =	sadd.s32 $0x8F2B, s0  }
0xc3: {  	[sflag:s0] =	ssyncadd.remote.s32 $0x1  }
0xc4: {  	_ =	sfence.sel $0xFFFF  }
0xc5: {  	[dreg:$0x0] =	wrdreg $0xFFFFFFFF;
	(pc) =	sbr.abs _section_cstart, $3  }
0xc6: {  	[dreg:$0x1] =	wrdreg $0xFFFFFFFF  }
0xc7: {  	_ =	task.clear_ibuf [dreg:s7], $0x2FFFF;
	_ =	strace $0x9FFFFFFF  }
0xc8: {  	(tm) =	ssettm $0x7FFFFFFF  }
0xc9: {  	_ =	shalt  }
tec
execute0_lowered:
.L_overlay_start_1:
0x0: {  	(tag) =	ssettag $0x1  }
0x1: {  	s0 =	rddreg [dreg:$0x0]  }
0x2: {  	s1 =	rddreg [dreg:$0x1]  }
0x3: {  	s2 =	rddreg [dreg:$0x2]  }
0x4: {  	s3 =	rddreg [dreg:$0x3];
	s4 =	simm.s32 $0x0;
	s5 =	stileid.u32  }
0x5: {  	[smem:$0x7FF] =	sst s4;
	s6 =	sshll.u32 s5, $0x3  }
0x6: {  	s28 =	simm.s32 $0x2;
	_ =	strace $0x80000047;
	s1 =	sadd.s32 s1, s6  }
0x7: {  	[tilespmem:s4], [sflag:$0x2] =	stream.linear.gather [hbm4b:s1+s4], $0x40, $0x38;
	[tilespmem:$0x2080] =	vst v63  }
0x8: {  	_ =	swait.ge [sflag:s28], $0x40  }
0x9: {  	s29 =	simm.s32 $0x40;
	[sflag:s28] =	ssyncset.done $0x0  }
0xa: {  	s7 =	simm.s32 $0x80;
	s30 =	simm.s32 $0x1;
	[sflag:s28] =	ssyncadd.s32 $0xFFFFFFC0  }
0xb: {  	[tilespmem:s7], [sflag:$0x1] =	stream.indirect.gather [hbm4b:s0+s29], $0x80, s4, s29, $0xb8;
	[tilespmem:$0x2080] =	vst v63  }
0xc: {  	_ =	swait.ge [sflag:s30], $0x2000  }
0xd: {  	s31 =	sshll.u32 s5, $0xA;
	[sflag:s30] =	ssyncset.done $0x0  }
0xe: {  	s2 =	sadd.s32 s2, s31;
	[sflag:s30] =	ssyncadd.s32 $0xFFFFE000  }
0xf: {  	[hbm4b:s2+s4] =	stream.linear.scatter [tilespmem:s7], [sflag:$0x2], $0x2000, $0x38;
	[tilespmem:$0x2080] =	vst v63  }
0x10: {  	_ =	swait.ge [sflag:s28], $0x2000  }
0x11: {  	[sflag:s28] =	ssyncset.done $0x0  }
0x12: {  	[sflag:s28] =	ssyncadd.s32 $0xFFFFE000  }
0x13: {  	_ =	sfence.sel $0x180000  }
0x14: {  	[bflag:$0x0] =	sbarrier.arrive $0xFFFF  }
0x15: {  	p0 =	sne.s32 s5, $0x0;
	_ =	strace $0x90000047  }
0x16: {  	s0 =	sadd.s32 @!p0 $0x100000, s3;
	[bflag:$0x2] =	sbarrier.arrive $0xFFFF  }
0x17: {  	[sflag:s0] =	ssyncadd.tile.s32 @!p0 $0x1;
	_ =	shalt  }
.Lfunc_end2:
_tile_overlayer_lowered:
.L_overlay_start_2:
0x18: {  	(tag) =	ssettag $0x2  }
0x19: {  	s0 =	rddreg [dreg:$0x0];
	s2 =	stileid.u32  }
0x1a: {  	s1 =	rddreg [dreg:$0x1];
	p0 =	sne.s32 s2, $0x0  }
0x1b: {  	s3 =	rddreg [dreg:$0x2];
	[bflag:$0x3] =	sbarrier.arrive $0xFFFF;
	s2 =	simm.s32 @!p0 $0x1C02  }
0x1c: {  	[timem:s3], [sflag:s2] =	dma.local @!p0 [hbm:s0], s1  }
0x1d: {  	s0 =	simm.s32 @!p0 $0x2  }
0x1e: {  	_ =	swait.ge @!p0 [sflag:s0], s1  }
0x1f: {  	s1 =	ssub.s32 @!p0 $0x0, s1;
	[sflag:s0] =	ssyncset.done @!p0 $0x0  }
0x20: {  	[sflag:s0] =	ssyncadd.s32 @!p0 s1  }
0x21: {  	[bflag:$0x3] =	sbarrier.arrive $0xFFFF  }
0x22: {  	_ =	shalt  }

</sc_bundles>
